<compile_context>
chip_gen: v7x
topology: tpu7x:2x2x1
jax: 0.10.2.dev20260603
libtpu: 0.0.44.dev20260713+nightly
codegen_flags: <defaults>
</compile_context>

<pallas_src>
import functools

import jax
import jax.numpy as jnp
from jax import lax
from jax.experimental import pallas as pl
from jax.experimental.pallas import tpu as pltpu
from jax.experimental.pallas import tpu_sc as plsc

_CH = 320
_NBUF = 2
_DP = 128


@functools.cache
def _build(n_tok, v):
    info = plsc.get_sparse_core_info()
    nc, ns = info.num_cores, info.num_subcores
    nw = nc * ns
    nch = n_tok // (nw * _CH)
    assert nch * nw * _CH == n_tok
    assert nch % _NBUF == 0
    mesh = plsc.VectorSubcoreMesh(core_axis_name="c", subcore_axis_name="s")

    def body(idx_hbm, tab_hbm, out_hbm, idx_v, rows_v, gsem):
        wid = lax.axis_index("s") * nc + lax.axis_index("c")
        c0 = wid * nch
        pltpu.sync_copy(idx_hbm.at[wid], idx_v)

        def gather(jj, b):
            return pltpu.make_async_copy(
                tab_hbm.at[idx_v.at[jj]], rows_v.at[b], gsem)

        for b in range(_NBUF):
            gather(b, b).start()

        @pl.loop(0, nch, step=_NBUF)
        def _(j):
            for b in range(_NBUF):
                jj = j + b
                gather(jj, b).wait()
                pltpu.sync_copy(rows_v.at[b],
                                out_hbm.at[pl.ds((c0 + jj) * _CH, _CH)])
                nxt = jj + _NBUF

                @pl.when(nxt < nch)
                def _():
                    gather(nxt, b).start()

    return pl.kernel(
        body,
        out_type=jax.ShapeDtypeStruct((n_tok, _DP), jnp.float32),
        mesh=mesh,
        compiler_params=pltpu.CompilerParams(use_tc_tiling_on_sc=False),
        scratch_types=[
            pltpu.VMEM((nch, _CH), jnp.int32),
            pltpu.VMEM((_NBUF, _CH, _DP), jnp.float32),
            pltpu.SemaphoreType.DMA,
        ],
    )


def kernel(indices, table):
    b, l = indices.shape
    v, d = table.shape
    flat = indices.T.reshape(-1).astype(jnp.int32)
    n_tok = flat.shape[0]
    info = plsc.get_sparse_core_info()
    nw = info.num_cores * info.num_subcores
    idx3d = flat.reshape(nw, n_tok // (nw * _CH), _CH)
    tab_pad = jnp.pad(table, ((0, 0), (0, _DP - d)))
    out = _build(n_tok, v)(idx3d, tab_pad)
    return out[:, :d].reshape(l, b, d).transpose(1, 0, 2)

# --- scband reference (transcript-rebuilt; emitter-appended) ---
"""Pipeline reference for scband-word-embedding-23545010717453 (READ-ONLY COPY).

The authoritative reference and input builder live on the scoring server;
editing this copy changes nothing except your own understanding.
"""

import jax, jax.numpy as jnp
import numpy as np

VOCAB = 1000000
N_WORD = 64
B = 4096
L = 50

def setup_inputs(seed: int = 0) -> dict:
    key = jax.random.key(seed)
    k1, k2 = jax.random.split(key)
    indices = jax.random.randint(k1, (B, L), 0, VOCAB)
    table = jax.random.normal(k2, (VOCAB, N_WORD), dtype=jnp.float32) * 0.02
    return {"indices": indices, "table": table}

def reference(indices, table):
    # Core of WordEmbedding (trainable path): val_inp_var = self.embedding(val_tok_var)
    # nn.Embedding lookup: gather rows of the embedding table by token id.
    val_inp = jnp.take(table, indices, axis=0)  # [B, L, N_word]
    return val_inp

if __name__ == "__main__":
    import jax
    _d = setup_inputs()
    print(jax.jit(kernel)(*tuple(_d.values())))

</pallas_src>

<mosaic_0001>
#map = affine_map<(d0, d1) -> (0, 0, 0)>
#map1 = affine_map<(d0, d1) -> (0, 0)>
module attributes {stable_mosaic.version = 14 : i64} {
  func.func @body(%arg0: i32, %arg1: i32, %arg2: memref<32x20x320xi32, #tpu.memory_space<hbm>>, %arg3: memref<1000000x128xf32, #tpu.memory_space<hbm>>, %arg4: memref<204800x128xf32, #tpu.memory_space<hbm>>, %arg5: memref<20x320xi32, #tpu.memory_space<vmem>>, %arg6: memref<2x320x128xf32, #tpu.memory_space<vmem>>, %arg7: memref<!tpu.dma_semaphore, #tpu.memory_space<semaphore_mem>>) attributes {dimension_semantics = [#tpu.dimension_semantics<core_parallel>, #tpu.dimension_semantics<subcore_parallel>], iteration_bounds = array<i64: 2, 16>, scalar_prefetch = 0 : i64, scratch_operands = 3 : i64, tpu.core_type = #tpu.core_type<sc_vector_subcore>, window_params = [{transform_indices = #map}, {transform_indices = #map1}, {transform_indices = #map1}]} {
    %mul3A = arith.constant 2 : i32
    %mul3A_0 = arith.muli %arg1, %mul3A : i32
    %add3A = arith.addi %mul3A_0, %arg0 : i32
    %mul3A_1 = arith.constant 20 : i32
    %mul3A_2 = arith.muli %add3A, %mul3A_1 : i32
    "tpu.region"() ({
      %run_scoped3A = tpu.sem_alloc : memref<!tpu.dma_semaphore, #tpu.memory_space<semaphore_mem>>
      %dma_start3A_30 = arith.constant 0 : i32
      %dma_start3A_31 = arith.constant 0 : i32
      %dma_start3A_32 = tpu.memref_slice %arg2[%add3A, %dma_start3A_30, %dma_start3A_31] : memref<32x20x320xi32, #tpu.memory_space<hbm>> -> memref<1x20x320xi32, #tpu.memory_space<hbm>>
      %dma_start3A_33 = tpu.memref_squeeze %dma_start3A_32 : memref<1x20x320xi32, #tpu.memory_space<hbm>> -> memref<20x320xi32, #tpu.memory_space<hbm>>
      %dma_start3A_34 = arith.constant 0 : i32
      %dma_start3A_35 = arith.constant 0 : i32
      %dma_start3A_36 = tpu.memref_slice %arg2[%add3A, %dma_start3A_34, %dma_start3A_35] : memref<32x20x320xi32, #tpu.memory_space<hbm>> -> memref<1x20x320xi32, #tpu.memory_space<hbm>>
      %dma_start3A_37 = tpu.memref_squeeze %dma_start3A_36 : memref<1x20x320xi32, #tpu.memory_space<hbm>> -> memref<20x320xi32, #tpu.memory_space<hbm>>
      tpu.enqueue_dma source(%dma_start3A_37 : memref<20x320xi32, #tpu.memory_space<hbm>>) target(%arg5 : memref<20x320xi32, #tpu.memory_space<vmem>>) target_semaphore(%run_scoped3A : memref<!tpu.dma_semaphore, #tpu.memory_space<semaphore_mem>>)
      %dma_wait3A = arith.constant 0 : i32
      %dma_wait3A_38 = arith.constant 0 : i32
      %dma_wait3A_39 = tpu.memref_slice %arg2[%add3A, %dma_wait3A, %dma_wait3A_38] : memref<32x20x320xi32, #tpu.memory_space<hbm>> -> memref<1x20x320xi32, #tpu.memory_space<hbm>>
      %dma_wait3A_40 = tpu.memref_squeeze %dma_wait3A_39 : memref<1x20x320xi32, #tpu.memory_space<hbm>> -> memref<20x320xi32, #tpu.memory_space<hbm>>
      %dma_wait3A_41 = arith.constant 0 : i32
      %dma_wait3A_42 = arith.constant 0 : i32
      %dma_wait3A_43 = tpu.memref_slice %arg2[%add3A, %dma_wait3A_41, %dma_wait3A_42] : memref<32x20x320xi32, #tpu.memory_space<hbm>> -> memref<1x20x320xi32, #tpu.memory_space<hbm>>
      %dma_wait3A_44 = tpu.memref_squeeze %dma_wait3A_43 : memref<1x20x320xi32, #tpu.memory_space<hbm>> -> memref<20x320xi32, #tpu.memory_space<hbm>>
      tpu.wait_dma2 semaphore(%run_scoped3A : memref<!tpu.dma_semaphore, #tpu.memory_space<semaphore_mem>>) src(%dma_wait3A_44 : memref<20x320xi32, #tpu.memory_space<hbm>>) dst(%arg5 : memref<20x320xi32, #tpu.memory_space<vmem>>)
      tpu.yield
    }) : () -> ()
    %dma_start3A = arith.constant 0 : i32
    %dma_start3A_3 = arith.constant 0 : i32
    %dma_start3A_4 = arith.constant 0 : i32
    %dma_start3A_5 = arith.constant 0 : i32
    %dma_start3A_6 = tpu.memref_slice %arg6[%dma_start3A_3, %dma_start3A_4, %dma_start3A_5] : memref<2x320x128xf32, #tpu.memory_space<vmem>> -> memref<1x320x128xf32, #tpu.memory_space<vmem>>
    %dma_start3A_7 = tpu.memref_squeeze %dma_start3A_6 : memref<1x320x128xf32, #tpu.memory_space<vmem>> -> memref<320x128xf32, #tpu.memory_space<vmem>>
    %dma_start3A_8 = arith.constant 0 : i32
    %dma_start3A_9 = tpu.memref_slice %arg5[%dma_start3A, %dma_start3A_8] : memref<20x320xi32, #tpu.memory_space<vmem>> -> memref<1x320xi32, #tpu.memory_space<vmem>>
    %dma_start3A_10 = tpu.memref_squeeze %dma_start3A_9 : memref<1x320xi32, #tpu.memory_space<vmem>> -> memref<320xi32, #tpu.memory_space<vmem>>
    %dma_start3A_11 = arith.constant 0 : i32
    %dma_start3A_12 = arith.constant 0 : i32
    %dma_start3A_13 = tpu.memref_slice %arg3[%dma_start3A_11, %dma_start3A_12] : memref<1000000x128xf32, #tpu.memory_space<hbm>> -> memref<1000000x128xf32, #tpu.memory_space<hbm>>
    tpu.enqueue_indirect_dma source(%dma_start3A_13 : memref<1000000x128xf32, #tpu.memory_space<hbm>>) target(%dma_start3A_7 : memref<320x128xf32, #tpu.memory_space<vmem>>) offsets(%dma_start3A_10 : memref<320xi32, #tpu.memory_space<vmem>>) semaphore(%arg7 : memref<!tpu.dma_semaphore, #tpu.memory_space<semaphore_mem>>)
    %dma_start3A_14 = arith.constant 1 : i32
    %dma_start3A_15 = arith.constant 1 : i32
    %dma_start3A_16 = arith.constant 0 : i32
    %dma_start3A_17 = arith.constant 0 : i32
    %dma_start3A_18 = tpu.memref_slice %arg6[%dma_start3A_15, %dma_start3A_16, %dma_start3A_17] : memref<2x320x128xf32, #tpu.memory_space<vmem>> -> memref<1x320x128xf32, #tpu.memory_space<vmem>>
    %dma_start3A_19 = tpu.memref_squeeze %dma_start3A_18 : memref<1x320x128xf32, #tpu.memory_space<vmem>> -> memref<320x128xf32, #tpu.memory_space<vmem>>
    %dma_start3A_20 = arith.constant 0 : i32
    %dma_start3A_21 = tpu.memref_slice %arg5[%dma_start3A_14, %dma_start3A_20] : memref<20x320xi32, #tpu.memory_space<vmem>> -> memref<1x320xi32, #tpu.memory_space<vmem>>
    %dma_start3A_22 = tpu.memref_squeeze %dma_start3A_21 : memref<1x320xi32, #tpu.memory_space<vmem>> -> memref<320xi32, #tpu.memory_space<vmem>>
    %dma_start3A_23 = arith.constant 0 : i32
    %dma_start3A_24 = arith.constant 0 : i32
    %dma_start3A_25 = tpu.memref_slice %arg3[%dma_start3A_23, %dma_start3A_24] : memref<1000000x128xf32, #tpu.memory_space<hbm>> -> memref<1000000x128xf32, #tpu.memory_space<hbm>>
    tpu.enqueue_indirect_dma source(%dma_start3A_25 : memref<1000000x128xf32, #tpu.memory_space<hbm>>) target(%dma_start3A_19 : memref<320x128xf32, #tpu.memory_space<vmem>>) offsets(%dma_start3A_22 : memref<320xi32, #tpu.memory_space<vmem>>) semaphore(%arg7 : memref<!tpu.dma_semaphore, #tpu.memory_space<semaphore_mem>>)
    %scan3A = arith.constant 0 : i32
    %scan3A_26 = arith.constant 10 : i32
    %scan3A_27 = arith.addi %scan3A, %scan3A_26 : i32
    %scan3A_28 = arith.constant 1 : i32
    scf.for %scan3A_30 = %scan3A to %scan3A_27 step %scan3A_28  : i32 {
      %mul3A_31 = arith.constant 2 : i32
      %mul3A_32 = arith.muli %scan3A_30, %mul3A_31 : i32
      %add3A_33 = arith.constant 0 : i32
      %add3A_34 = arith.addi %add3A_33, %mul3A_32 : i32
      %add3A_35 = arith.constant 0 : i32
      %add3A_36 = arith.addi %add3A_34, %add3A_35 : i32
      %dma_wait3A = arith.constant 0 : i32
      %dma_wait3A_37 = arith.constant 0 : i32
      %dma_wait3A_38 = arith.constant 0 : i32
      %dma_wait3A_39 = tpu.memref_slice %arg6[%dma_wait3A, %dma_wait3A_37, %dma_wait3A_38] : memref<2x320x128xf32, #tpu.memory_space<vmem>> -> memref<1x320x128xf32, #tpu.memory_space<vmem>>
      %dma_wait3A_40 = tpu.memref_squeeze %dma_wait3A_39 : memref<1x320x128xf32, #tpu.memory_space<vmem>> -> memref<320x128xf32, #tpu.memory_space<vmem>>
      %dma_wait3A_41 = arith.constant 0 : i32
      %dma_wait3A_42 = tpu.memref_slice %arg5[%add3A_36, %dma_wait3A_41] : memref<20x320xi32, #tpu.memory_space<vmem>> -> memref<1x320xi32, #tpu.memory_space<vmem>>
      %dma_wait3A_43 = tpu.memref_squeeze %dma_wait3A_42 : memref<1x320xi32, #tpu.memory_space<vmem>> -> memref<320xi32, #tpu.memory_space<vmem>>
      %dma_wait3A_44 = arith.constant 0 : i32
      %dma_wait3A_45 = arith.constant 0 : i32
      %dma_wait3A_46 = tpu.memref_slice %arg3[%dma_wait3A_44, %dma_wait3A_45] : memref<1000000x128xf32, #tpu.memory_space<hbm>> -> memref<1000000x128xf32, #tpu.memory_space<hbm>>
      tpu.wait_indirect_dma semaphore(%arg7 : memref<!tpu.dma_semaphore, #tpu.memory_space<semaphore_mem>>) src(%dma_wait3A_46 : memref<1000000x128xf32, #tpu.memory_space<hbm>>) dst(%dma_wait3A_40 : memref<320x128xf32, #tpu.memory_space<vmem>>)
      %add3A_47 = arith.addi %mul3A_2, %add3A_36 : i32
      %mul3A_48 = arith.constant 320 : i32
      %mul3A_49 = arith.muli %add3A_47, %mul3A_48 : i32
      %run_scoped3A = arith.constant 0 : i32
      "tpu.region"() ({
        %run_scoped3A_78 = tpu.sem_alloc : memref<!tpu.dma_semaphore, #tpu.memory_space<semaphore_mem>>
        %dma_start3A_79 = arith.constant 0 : i32
        %dma_start3A_80 = arith.constant 0 : i32
        %dma_start3A_81 = tpu.memref_slice %arg6[%run_scoped3A, %dma_start3A_79, %dma_start3A_80] : memref<2x320x128xf32, #tpu.memory_space<vmem>> -> memref<1x320x128xf32, #tpu.memory_space<vmem>>
        %dma_start3A_82 = tpu.memref_squeeze %dma_start3A_81 : memref<1x320x128xf32, #tpu.memory_space<vmem>> -> memref<320x128xf32, #tpu.memory_space<vmem>>
        %dma_start3A_83 = arith.constant 0 : i32
        %dma_start3A_84 = tpu.memref_slice %arg4[%mul3A_49, %dma_start3A_83] : memref<204800x128xf32, #tpu.memory_space<hbm>> -> memref<320x128xf32, #tpu.memory_space<hbm>>
        %dma_start3A_85 = arith.constant 0 : i32
        %dma_start3A_86 = tpu.memref_slice %arg4[%mul3A_49, %dma_start3A_85] : memref<204800x128xf32, #tpu.memory_space<hbm>> -> memref<320x128xf32, #tpu.memory_space<hbm>>
        %dma_start3A_87 = arith.constant 0 : i32
        %dma_start3A_88 = arith.constant 0 : i32
        %dma_start3A_89 = tpu.memref_slice %arg6[%run_scoped3A, %dma_start3A_87, %dma_start3A_88] : memref<2x320x128xf32, #tpu.memory_space<vmem>> -> memref<1x320x128xf32, #tpu.memory_space<vmem>>
        %dma_start3A_90 = tpu.memref_squeeze %dma_start3A_89 : memref<1x320x128xf32, #tpu.memory_space<vmem>> -> memref<320x128xf32, #tpu.memory_space<vmem>>
        tpu.enqueue_dma source(%dma_start3A_90 : memref<320x128xf32, #tpu.memory_space<vmem>>) target(%dma_start3A_86 : memref<320x128xf32, #tpu.memory_space<hbm>>) target_semaphore(%run_scoped3A_78 : memref<!tpu.dma_semaphore, #tpu.memory_space<semaphore_mem>>)
        %dma_wait3A_91 = arith.constant 0 : i32
        %dma_wait3A_92 = arith.constant 0 : i32
        %dma_wait3A_93 = tpu.memref_slice %arg6[%run_scoped3A, %dma_wait3A_91, %dma_wait3A_92] : memref<2x320x128xf32, #tpu.memory_space<vmem>> -> memref<1x320x128xf32, #tpu.memory_space<vmem>>
        %dma_wait3A_94 = tpu.memref_squeeze %dma_wait3A_93 : memref<1x320x128xf32, #tpu.memory_space<vmem>> -> memref<320x128xf32, #tpu.memory_space<vmem>>
        %dma_wait3A_95 = arith.constant 0 : i32
        %dma_wait3A_96 = tpu.memref_slice %arg4[%mul3A_49, %dma_wait3A_95] : memref<204800x128xf32, #tpu.memory_space<hbm>> -> memref<320x128xf32, #tpu.memory_space<hbm>>
        %dma_wait3A_97 = arith.constant 0 : i32
        %dma_wait3A_98 = tpu.memref_slice %arg4[%mul3A_49, %dma_wait3A_97] : memref<204800x128xf32, #tpu.memory_space<hbm>> -> memref<320x128xf32, #tpu.memory_space<hbm>>
        %dma_wait3A_99 = arith.constant 0 : i32
        %dma_wait3A_100 = arith.constant 0 : i32
        %dma_wait3A_101 = tpu.memref_slice %arg6[%run_scoped3A, %dma_wait3A_99, %dma_wait3A_100] : memref<2x320x128xf32, #tpu.memory_space<vmem>> -> memref<1x320x128xf32, #tpu.memory_space<vmem>>
        %dma_wait3A_102 = tpu.memref_squeeze %dma_wait3A_101 : memref<1x320x128xf32, #tpu.memory_space<vmem>> -> memref<320x128xf32, #tpu.memory_space<vmem>>
        tpu.wait_dma2 semaphore(%run_scoped3A_78 : memref<!tpu.dma_semaphore, #tpu.memory_space<semaphore_mem>>) src(%dma_wait3A_102 : memref<320x128xf32, #tpu.memory_space<vmem>>) dst(%dma_wait3A_98 : memref<320x128xf32, #tpu.memory_space<hbm>>)
        tpu.yield
      }) : () -> ()
      %add3A_50 = arith.constant 2 : i32
      %add3A_51 = arith.addi %add3A_36, %add3A_50 : i32
      %lt3A = arith.constant 20 : i32
      %lt3A_52 = arith.cmpi slt, %add3A_51, %lt3A : i32
      %convert_element_type3A = arith.extui %lt3A_52 : i1 to i32
      %cond3A = arith.constant 0 : i32
      %cond3A_53 = arith.cmpi ne, %convert_element_type3A, %cond3A : i32
      scf.if %cond3A_53 {
        %dma_start3A_78 = arith.constant 0 : i32
        %dma_start3A_79 = arith.constant 0 : i32
        %dma_start3A_80 = arith.constant 0 : i32
        %dma_start3A_81 = tpu.memref_slice %arg6[%dma_start3A_78, %dma_start3A_79, %dma_start3A_80] : memref<2x320x128xf32, #tpu.memory_space<vmem>> -> memref<1x320x128xf32, #tpu.memory_space<vmem>>
        %dma_start3A_82 = tpu.memref_squeeze %dma_start3A_81 : memref<1x320x128xf32, #tpu.memory_space<vmem>> -> memref<320x128xf32, #tpu.memory_space<vmem>>
        %dma_start3A_83 = arith.constant 0 : i32
        %dma_start3A_84 = tpu.memref_slice %arg5[%add3A_51, %dma_start3A_83] : memref<20x320xi32, #tpu.memory_space<vmem>> -> memref<1x320xi32, #tpu.memory_space<vmem>>
        %dma_start3A_85 = tpu.memref_squeeze %dma_start3A_84 : memref<1x320xi32, #tpu.memory_space<vmem>> -> memref<320xi32, #tpu.memory_space<vmem>>
        %dma_start3A_86 = arith.constant 0 : i32
        %dma_start3A_87 = arith.constant 0 : i32
        %dma_start3A_88 = tpu.memref_slice %arg3[%dma_start3A_86, %dma_start3A_87] : memref<1000000x128xf32, #tpu.memory_space<hbm>> -> memref<1000000x128xf32, #tpu.memory_space<hbm>>
        tpu.enqueue_indirect_dma source(%dma_start3A_88 : memref<1000000x128xf32, #tpu.memory_space<hbm>>) target(%dma_start3A_82 : memref<320x128xf32, #tpu.memory_space<vmem>>) offsets(%dma_start3A_85 : memref<320xi32, #tpu.memory_space<vmem>>) semaphore(%arg7 : memref<!tpu.dma_semaphore, #tpu.memory_space<semaphore_mem>>)
      } else {
      }
      %add3A_54 = arith.constant 1 : i32
      %add3A_55 = arith.addi %add3A_34, %add3A_54 : i32
      %dma_wait3A_56 = arith.constant 1 : i32
      %dma_wait3A_57 = arith.constant 0 : i32
      %dma_wait3A_58 = arith.constant 0 : i32
      %dma_wait3A_59 = tpu.memref_slice %arg6[%dma_wait3A_56, %dma_wait3A_57, %dma_wait3A_58] : memref<2x320x128xf32, #tpu.memory_space<vmem>> -> memref<1x320x128xf32, #tpu.memory_space<vmem>>
      %dma_wait3A_60 = tpu.memref_squeeze %dma_wait3A_59 : memref<1x320x128xf32, #tpu.memory_space<vmem>> -> memref<320x128xf32, #tpu.memory_space<vmem>>
      %dma_wait3A_61 = arith.constant 0 : i32
      %dma_wait3A_62 = tpu.memref_slice %arg5[%add3A_55, %dma_wait3A_61] : memref<20x320xi32, #tpu.memory_space<vmem>> -> memref<1x320xi32, #tpu.memory_space<vmem>>
      %dma_wait3A_63 = tpu.memref_squeeze %dma_wait3A_62 : memref<1x320xi32, #tpu.memory_space<vmem>> -> memref<320xi32, #tpu.memory_space<vmem>>
      %dma_wait3A_64 = arith.constant 0 : i32
      %dma_wait3A_65 = arith.constant 0 : i32
      %dma_wait3A_66 = tpu.memref_slice %arg3[%dma_wait3A_64, %dma_wait3A_65] : memref<1000000x128xf32, #tpu.memory_space<hbm>> -> memref<1000000x128xf32, #tpu.memory_space<hbm>>
      tpu.wait_indirect_dma semaphore(%arg7 : memref<!tpu.dma_semaphore, #tpu.memory_space<semaphore_mem>>) src(%dma_wait3A_66 : memref<1000000x128xf32, #tpu.memory_space<hbm>>) dst(%dma_wait3A_60 : memref<320x128xf32, #tpu.memory_space<vmem>>)
      %add3A_67 = arith.addi %mul3A_2, %add3A_55 : i32
      %mul3A_68 = arith.constant 320 : i32
      %mul3A_69 = arith.muli %add3A_67, %mul3A_68 : i32
      %run_scoped3A_70 = arith.constant 1 : i32
      "tpu.region"() ({
        %run_scoped3A_78 = tpu.sem_alloc : memref<!tpu.dma_semaphore, #tpu.memory_space<semaphore_mem>>
        %dma_start3A_79 = arith.constant 0 : i32
        %dma_start3A_80 = arith.constant 0 : i32
        %dma_start3A_81 = tpu.memref_slice %arg6[%run_scoped3A_70, %dma_start3A_79, %dma_start3A_80] : memref<2x320x128xf32, #tpu.memory_space<vmem>> -> memref<1x320x128xf32, #tpu.memory_space<vmem>>
        %dma_start3A_82 = tpu.memref_squeeze %dma_start3A_81 : memref<1x320x128xf32, #tpu.memory_space<vmem>> -> memref<320x128xf32, #tpu.memory_space<vmem>>
        %dma_start3A_83 = arith.constant 0 : i32
        %dma_start3A_84 = tpu.memref_slice %arg4[%mul3A_69, %dma_start3A_83] : memref<204800x128xf32, #tpu.memory_space<hbm>> -> memref<320x128xf32, #tpu.memory_space<hbm>>
        %dma_start3A_85 = arith.constant 0 : i32
        %dma_start3A_86 = tpu.memref_slice %arg4[%mul3A_69, %dma_start3A_85] : memref<204800x128xf32, #tpu.memory_space<hbm>> -> memref<320x128xf32, #tpu.memory_space<hbm>>
        %dma_start3A_87 = arith.constant 0 : i32
        %dma_start3A_88 = arith.constant 0 : i32
        %dma_start3A_89 = tpu.memref_slice %arg6[%run_scoped3A_70, %dma_start3A_87, %dma_start3A_88] : memref<2x320x128xf32, #tpu.memory_space<vmem>> -> memref<1x320x128xf32, #tpu.memory_space<vmem>>
        %dma_start3A_90 = tpu.memref_squeeze %dma_start3A_89 : memref<1x320x128xf32, #tpu.memory_space<vmem>> -> memref<320x128xf32, #tpu.memory_space<vmem>>
        tpu.enqueue_dma source(%dma_start3A_90 : memref<320x128xf32, #tpu.memory_space<vmem>>) target(%dma_start3A_86 : memref<320x128xf32, #tpu.memory_space<hbm>>) target_semaphore(%run_scoped3A_78 : memref<!tpu.dma_semaphore, #tpu.memory_space<semaphore_mem>>)
        %dma_wait3A_91 = arith.constant 0 : i32
        %dma_wait3A_92 = arith.constant 0 : i32
        %dma_wait3A_93 = tpu.memref_slice %arg6[%run_scoped3A_70, %dma_wait3A_91, %dma_wait3A_92] : memref<2x320x128xf32, #tpu.memory_space<vmem>> -> memref<1x320x128xf32, #tpu.memory_space<vmem>>
        %dma_wait3A_94 = tpu.memref_squeeze %dma_wait3A_93 : memref<1x320x128xf32, #tpu.memory_space<vmem>> -> memref<320x128xf32, #tpu.memory_space<vmem>>
        %dma_wait3A_95 = arith.constant 0 : i32
        %dma_wait3A_96 = tpu.memref_slice %arg4[%mul3A_69, %dma_wait3A_95] : memref<204800x128xf32, #tpu.memory_space<hbm>> -> memref<320x128xf32, #tpu.memory_space<hbm>>
        %dma_wait3A_97 = arith.constant 0 : i32
        %dma_wait3A_98 = tpu.memref_slice %arg4[%mul3A_69, %dma_wait3A_97] : memref<204800x128xf32, #tpu.memory_space<hbm>> -> memref<320x128xf32, #tpu.memory_space<hbm>>
        %dma_wait3A_99 = arith.constant 0 : i32
        %dma_wait3A_100 = arith.constant 0 : i32
        %dma_wait3A_101 = tpu.memref_slice %arg6[%run_scoped3A_70, %dma_wait3A_99, %dma_wait3A_100] : memref<2x320x128xf32, #tpu.memory_space<vmem>> -> memref<1x320x128xf32, #tpu.memory_space<vmem>>
        %dma_wait3A_102 = tpu.memref_squeeze %dma_wait3A_101 : memref<1x320x128xf32, #tpu.memory_space<vmem>> -> memref<320x128xf32, #tpu.memory_space<vmem>>
        tpu.wait_dma2 semaphore(%run_scoped3A_78 : memref<!tpu.dma_semaphore, #tpu.memory_space<semaphore_mem>>) src(%dma_wait3A_102 : memref<320x128xf32, #tpu.memory_space<vmem>>) dst(%dma_wait3A_98 : memref<320x128xf32, #tpu.memory_space<hbm>>)
        tpu.yield
      }) : () -> ()
      %add3A_71 = arith.constant 2 : i32
      %add3A_72 = arith.addi %add3A_55, %add3A_71 : i32
      %lt3A_73 = arith.constant 20 : i32
      %lt3A_74 = arith.cmpi slt, %add3A_72, %lt3A_73 : i32
      %convert_element_type3A_75 = arith.extui %lt3A_74 : i1 to i32
      %cond3A_76 = arith.constant 0 : i32
      %cond3A_77 = arith.cmpi ne, %convert_element_type3A_75, %cond3A_76 : i32
      scf.if %cond3A_77 {
        %dma_start3A_78 = arith.constant 1 : i32
        %dma_start3A_79 = arith.constant 0 : i32
        %dma_start3A_80 = arith.constant 0 : i32
        %dma_start3A_81 = tpu.memref_slice %arg6[%dma_start3A_78, %dma_start3A_79, %dma_start3A_80] : memref<2x320x128xf32, #tpu.memory_space<vmem>> -> memref<1x320x128xf32, #tpu.memory_space<vmem>>
        %dma_start3A_82 = tpu.memref_squeeze %dma_start3A_81 : memref<1x320x128xf32, #tpu.memory_space<vmem>> -> memref<320x128xf32, #tpu.memory_space<vmem>>
        %dma_start3A_83 = arith.constant 0 : i32
        %dma_start3A_84 = tpu.memref_slice %arg5[%add3A_72, %dma_start3A_83] : memref<20x320xi32, #tpu.memory_space<vmem>> -> memref<1x320xi32, #tpu.memory_space<vmem>>
        %dma_start3A_85 = tpu.memref_squeeze %dma_start3A_84 : memref<1x320xi32, #tpu.memory_space<vmem>> -> memref<320xi32, #tpu.memory_space<vmem>>
        %dma_start3A_86 = arith.constant 0 : i32
        %dma_start3A_87 = arith.constant 0 : i32
        %dma_start3A_88 = tpu.memref_slice %arg3[%dma_start3A_86, %dma_start3A_87] : memref<1000000x128xf32, #tpu.memory_space<hbm>> -> memref<1000000x128xf32, #tpu.memory_space<hbm>>
        tpu.enqueue_indirect_dma source(%dma_start3A_88 : memref<1000000x128xf32, #tpu.memory_space<hbm>>) target(%dma_start3A_82 : memref<320x128xf32, #tpu.memory_space<vmem>>) offsets(%dma_start3A_85 : memref<320xi32, #tpu.memory_space<vmem>>) semaphore(%arg7 : memref<!tpu.dma_semaphore, #tpu.memory_space<semaphore_mem>>)
      } else {
      }
    }
    %scan3A_29 = arith.constant 10 : i32
    return
  }
}

</mosaic_0001>

<sc_bundles>
// kernel: kernel.3.cloned.1.call-start
scs
__scs_entry_jumppad:
0x0: {  	(pc) =	sbr.rel $0x88, $3  }
0x1: {  	(tag) =	ssettag $0x0;
	lr =	simm.s32 $0x1  }
0x2: {  	[smem:$0x3F9F] =	sst lr;
	_ =	strace $0xD0000000  }
0x3: {  	_ = 	snop  }
0x4: {  	_ = 	snop  }
0x5: {  	_ = 	snop  }
0x6: {  	_ = 	snop  }
0x7: {  	_ = 	snop  }
__scs_overlays_trampoline_lowered:
0x8: {  	[smem:$0x3FAE] =	sst s0  }
0x9: {  	[smem:$0x3FAF] =	sst s1  }
0xa: {  	[smem:$0x3FB0] =	sst s2  }
0xb: {  	[smem:$0x3FB1] =	sst s3  }
0xc: {  	[smem:$0x3FB2] =	sst s4  }
0xd: {  	[smem:$0x3FB3] =	sst s5  }
0xe: {  	[smem:$0x3FB4] =	sst s6  }
0xf: {  	[smem:$0x3FB5] =	sst s7  }
0x10: {  	[smem:$0x3FB6] =	sst s8  }
0x11: {  	[smem:$0x3FB7] =	sst s9;
	s0 =	simm.s32 @!p0 $0x0  }
0x12: {  	s1 =	sld [smem:$0x3F9D];
	s0 =	simm.s32 @p0 $0x1  }
0x13: {  	[smem:$0x3FB8] =	sst s0;
	s0 =	simm.s32 @!p1 $0x0  }
0x14: {  	s2 =	sld [smem:$0x3F9C];
	s0 =	simm.s32 @p1 $0x1  }
0x15: {  	[smem:$0x3FB9] =	sst s0;
	s0 =	simm.s32 @!p2 $0x0  }
0x16: {  	s3 =	sld [smem:$0x3FDB];
	s0 =	simm.s32 @p2 $0x1  }
0x17: {  	s4 =	simm.s32 $0x1BF5;
	[smem:$0x3FBB] =	sst s0  }
0x18: {  	s0 =	sld [smem:$0x3F9E];
	_ =	swait.ge [sflag:s4], $0x0  }
0x19: {  	s7 =	sld [smem:$0x3F9F]  }
0x1a: {  	s8 =	sadd.s32 $0xFFFFE003, lr  }
0x1b: {  	s9 =	sadd.s32 $0xFFFFFEF7, lr;
	s5 =	simm.s32 $0xFFFFFFFF;
	p2 =	slt.u32 s8, $0xFFFFF086  }
0x1c: {  	p1 =	slt.u32 s9, $0xF7A;
	s5 =	simm.s32 @!p2 $0x0  }
0x1d: {  	s5 =	simm.s32 @p1 $0x1;
	p0 =	seq.s32 s7, s2  }
0x1e: {  	s7 =	smul.u32 @!p0 $0xF7A, s2;
	p2 =	seq.s32 @!p0 s5, $0x0  }
0x1f: {  	s9 =	smul.u32 $0xF7A, s1;
	s8 =	simm.s32 @!p0 $0x1BF5;
	p2 =	por !p2, p0  }
0x20: {  	[sflag:s8] =	ssyncset.s32 @!p0 $0xFFFFF086;
	s6 =	sadd.s32 @!p0 s3, s7;
	s7 =	simm.s32 @!p0 $0x108  }
0x21: {  	s3 =	sadd.s32 s3, s9;
	s6 =	sadd.s32 @!p0 $0x88, s6;
	s7 =	simm.s32 @p2 $0x1082  }
0x22: {  	[simem:s7], [sflag:s8] =	dma.local @!p0 [hbm:s6], $0xF7A  }
0x23: {  	s9 =	sor.u32 $0xD0000000, s2;
	s6 =	simm.s32 $0x108;
	_ =	swait.ge @!p0 [sflag:s8], $0x0  }
0x24: {  	s3 =	sadd.s32 $0x88, s3;
	s6 =	simm.s32 @!p1 $0x1082;
	[sflag:s4] =	ssyncset.s32 $0xFFFFF086  }
0x25: {  	[simem:s6], [sflag:s4] =	dma.local [hbm:s3], $0xF7A  }
0x26: {  	[smem:$0x3F9F] =	sst s1;
	(tag) =	ssettag s2;
	_ =	strace s9  }
0x27: {  	s1 =	sld [smem:$0x3FAF]  }
0x28: {  	s2 =	sld [smem:$0x3FB0]  }
0x29: {  	s4 =	sld [smem:$0x3FB2]  }
0x2a: {  	p0 =	seq.s32 s5, $0x0;
	s5 =	sld [smem:$0x3FB3]  }
0x2b: {  	s6 =	sld [smem:$0x3FB4]  }
0x2c: {  	s7 =	sld [smem:$0x3FB5]  }
0x2d: {  	s3 =	simm.s32 $0x108;
	s8 =	sld [smem:$0x3FB6]  }
0x2e: {  	s3 =	simm.s32 @!p0 $0x1082;
	s9 =	sld [smem:$0x3FB7]  }
0x2f: {  	lr =	sadd.s32 s0, s3;
	s0 =	sld [smem:$0x3FAE]  }
0x30: {  	s3 =	sld [smem:$0x3FB1]  }
0x31: {  	[smem:$0x3FBA] =	sst s10  }
0x32: {  	s10 =	sld [smem:$0x3FB8];
	_ =	sdelay $0x3  }
0x33: {  	p0 =	seq.s32 s10, $0x1;
	s10 =	sld [smem:$0x3FBA];
	_ =	sdelay $0x3  }
0x34: {  	[smem:$0x3FBA] =	sst s10  }
0x35: {  	s10 =	sld [smem:$0x3FB9];
	_ =	sdelay $0x3  }
0x36: {  	p1 =	seq.s32 s10, $0x1;
	s10 =	sld [smem:$0x3FBA];
	_ =	sdelay $0x3  }
0x37: {  	[smem:$0x3FBA] =	sst s10  }
0x38: {  	s10 =	sld [smem:$0x3FBB]  }
0x39: {  	_ = 	snop;
	(pc) =	sbr.ind lr, $3  }
0x3a: {  	_ = 	snop  }
0x3b: {  	_ = 	snop  }
0x3c: {  	p2 =	seq.s32 s10, $0x1;
	s10 =	sld [smem:$0x3FBA]  }
0x3d: {  	_ =	shalt  }
0x3e: {  	_ =	shalt  }
0x3f: {  	_ =	shalt  }
0x40: {  	_ =	shalt  }
0x41: {  	_ =	shalt  }
0x42: {  	_ =	shalt  }
0x43: {  	_ =	shalt  }
0x44: {  	_ =	shalt  }
0x45: {  	_ =	shalt  }
0x46: {  	_ =	shalt  }
0x47: {  	_ =	shalt  }
0x48: {  	_ =	shalt  }
0x49: {  	_ =	shalt  }
0x4a: {  	_ =	shalt  }
0x4b: {  	_ =	shalt  }
0x4c: {  	_ =	shalt  }
0x4d: {  	_ =	shalt  }
0x4e: {  	_ =	shalt  }
0x4f: {  	_ =	shalt  }
0x50: {  	_ =	shalt  }
0x51: {  	_ =	shalt  }
0x52: {  	_ =	shalt  }
0x53: {  	_ =	shalt  }
0x54: {  	_ =	shalt  }
0x55: {  	_ =	shalt  }
0x56: {  	_ =	shalt  }
0x57: {  	_ =	shalt  }
0x58: {  	_ =	shalt  }
0x59: {  	_ =	shalt  }
0x5a: {  	_ =	shalt  }
0x5b: {  	_ =	shalt  }
0x5c: {  	_ =	shalt  }
0x5d: {  	_ =	shalt  }
0x5e: {  	_ =	shalt  }
0x5f: {  	_ =	shalt  }
0x60: {  	_ =	shalt  }
0x61: {  	_ =	shalt  }
0x62: {  	_ =	shalt  }
0x63: {  	_ =	shalt  }
0x64: {  	_ =	shalt  }
0x65: {  	_ =	shalt  }
0x66: {  	_ =	shalt  }
0x67: {  	_ =	shalt  }
0x68: {  	_ =	shalt  }
0x69: {  	_ =	shalt  }
0x6a: {  	_ =	shalt  }
0x6b: {  	_ =	shalt  }
0x6c: {  	_ =	shalt  }
0x6d: {  	_ =	shalt  }
0x6e: {  	_ =	shalt  }
0x6f: {  	_ =	shalt  }
0x70: {  	_ =	shalt  }
0x71: {  	_ =	shalt  }
0x72: {  	_ =	shalt  }
0x73: {  	_ =	shalt  }
0x74: {  	_ =	shalt  }
0x75: {  	_ =	shalt  }
0x76: {  	_ =	shalt  }
0x77: {  	_ =	shalt  }
0x78: {  	_ =	shalt  }
0x79: {  	_ =	shalt  }
0x7a: {  	_ =	shalt  }
0x7b: {  	_ =	shalt  }
0x7c: {  	_ =	shalt  }
0x7d: {  	_ =	shalt  }
0x7e: {  	_ =	shalt  }
0x7f: {  	_ =	shalt  }
0x80: {  	_ =	shalt  }
0x81: {  	_ =	shalt  }
0x82: {  	_ =	shalt  }
0x83: {  	_ =	shalt  }
0x84: {  	_ =	shalt  }
0x85: {  	_ =	shalt  }
0x86: {  	_ =	shalt  }
0x87: {  	_ =	shalt  }
.Lfunc_end0:
.L_simem_size_0:
called_computation.1_lowered:
.L_overlay_start_0:
0x88: {  	s2 =	sld [smem:$0x3FD9]  }
0x89: {  	s3 =	sld [smem:$0x3FFE];
	_ =	sdelay $0x1  }
0x8a: {  	s1 =	srdreg.scid  }
0x8b: {  	s0 =	sand.u32 $0x1, s1  }
0x8c: {  	s17 =	sshll.u32 s0, $0xA;
	s2 =	sadd.s32 s3, s2  }
0x8d: {  	s2 =	sadd.s32 s2, s17  }
0x8e: {  	[smem:$0x3FC6] =	sst s2  }
0x8f: {  	_ = 	snop  }
0x90: {  	s2 =	sld [smem:$0x3FD0];
	(tm) =	ssettm $0x1  }
0x91: {  	s18 =	sld [smem:$0x3FFB];
	_ =	sdelay $0x3  }
0x92: {  	_ =	strace s18  }
0x93: {  	s3 =	sld [smem:$0x3FFC];
	_ =	sdelay $0x3  }
0x94: {  	_ =	strace s3  }
0x95: {  	s3 =	sld [smem:$0x3FFD];
	_ =	sdelay $0x3  }
0x96: {  	_ =	strace s3  }
0x97: {  	_ =	strace $0x8FFFFFFF  }
0x98: {  	s19 =	sld [smem:$0x3FDB];
	_ =	sdelay $0x1  }
0x99: {  	s4 =	simm.s32 $_scs_section_size  }
0x9a: {  	s5 =	simm.s32 $_size__tile_overlayer_lowered;
	s6 =	simm.s32 $_tile_overlayer_lowered  }
0x9b: {  	s22 =	simm.s32 $0x1BFF;
	s21 =	sshll.u32 s6, $0x1;
	s3 =	sadd.s32 s4, s19  }
0x9c: {  	s7 =	simm.s32 $0x0;
	s20 =	sshll.u32 s5, $0x1;
	s5 =	sadd.s32 s21, s3  }
0x9d: {  	[timem:s7], [sflag:s22] =	dma.local [hbm:s5], s20  }
0x9e: {  	_ =	swait.ge [sflag:s22], s20  }
0x9f: {  	s4 =	ssub.s32 $0x0, s20;
	[sflag:s22] =	ssyncset.done $0x0  }
0xa0: {  	[sflag:s22] =	ssyncadd.s32 s4;
	_ =	sdelay $0x1  }
0xa1: {  	s23 =	simm.s32 $0x1B8B  }
0xa2: {  	_ =	swait.ge [sflag:s23], $0x1  }
0xa3: {  	[sflag:s23] =	ssyncset.done $0x0  }
0xa4: {  	s25 =	simm.s32 $0x1B8E;
	s24 =	sld [smem:$0x3FFE];
	[sflag:s23] =	ssyncadd.s32 $0xFFFFFFFF  }
0xa5: {  	s26 =	simm.s32 $execute0_lowered;
	[smem:$0x3FD2] =	sst s25  }
0xa6: {  	s5 =	sshll.u32 s26, $0x1;
	_ =	strace $0x80000046;
	[dreg:$0x1] =	wrdreg $0xFFFFFFFF  }
0xa7: {  	s28 =	simm.s32 $_size_execute0_lowered;
	s3 =	sadd.s32 s3, s5;
	[dreg:$0x0] =	wrdreg $0x0  }
0xa8: {  	s5 =	sshll.u32 s28, $0x1;
	[dreg:$0x2] =	wrdreg s3  }
0xa9: {  	[dreg:$0x3] =	wrdreg s5  }
0xaa: {  	[dreg:$0x4] =	wrdreg $0xC0  }
0xab: {  	_ =	task [dreg:s7], $0x5FFFF  }
0xac: {  	[dreg:$0x1] =	wrdreg $0xFFFFFFFF  }
0xad: {  	[dreg:$0x0] =	wrdreg $0x60  }
0xae: {  	[dreg:$0x2] =	wrdreg s2  }
0xaf: {  	[dreg:$0x3] =	wrdreg s24  }
0xb0: {  	[dreg:$0x4] =	wrdreg $0x9  }
0xb1: {  	_ =	task.clear_ibuf [dreg:s7], $0x5FFFF;
	_ =	strace $0x90000046  }
0xb2: {  	s29 =	simm.s32 $0x9;
	_ =	strace $0x80000048  }
0xb3: {  	_ =	swait.ge [sflag:s29], $0x1  }
0xb4: {  	[sflag:s29] =	ssyncadd.s32 $0xFFFFFFFF  }
0xb5: {  	_ =	strace $0x90000048  }
0xb6: {  	_ =	sfence  }
0xb7: {  	s30 =	sld [smem:$0x0];
	_ =	sdelay $0x2  }
0xb8: {  	s31 =	sshll.u32 s1, $0xD;
	s1 =	sshrl.u32 s1, $0x2  }
0xb9: {  	s3 =	sand.u32 $0x4000, s31;
	s1 =	sadd.s32 s1, s30  }
0xba: {  	s0 =	sor.u32 s3, s0;
	s1 =	sshll.u32 s1, $0x11  }
0xbb: {  	s0 =	sor.u32 s1, s0  }
0xbc: {  	s0 =	sadd.s32 $0x8F2B, s0  }
0xbd: {  	[sflag:s0] =	ssyncadd.remote.s32 $0x1  }
0xbe: {  	_ =	sfence.sel $0xFFFF  }
0xbf: {  	[dreg:$0x0] =	wrdreg $0xFFFFFFFF;
	(pc) =	sbr.abs _section_cstart, $3  }
0xc0: {  	[dreg:$0x1] =	wrdreg $0xFFFFFFFF  }
0xc1: {  	_ =	task.clear_ibuf [dreg:s7], $0x2FFFF;
	_ =	strace $0x9FFFFFFF  }
0xc2: {  	(tm) =	ssettm $0x7FFFFFFF  }
0xc3: {  	_ =	shalt  }
tec
execute0_lowered:
.L_overlay_start_1:
0x0: {  	(tag) =	ssettag $0x1  }
0x1: {  	s4 =	rddreg [dreg:$0x0]  }
0x2: {  	s5 =	rddreg [dreg:$0x1]  }
0x3: {  	s0 =	rddreg [dreg:$0x2]  }
0x4: {  	s3 =	srdreg.scid;
	s1 =	stileid.u32;
	s2 =	simm.s32 $0x0  }
0x5: {  	s12 =	simm.s32 $0xB900;
	s13 =	simm.s32 $0x1;
	s14 =	simm.s32 $0x0  }
0x6: {  	s6 =	sand.u32 $0x1, s3;
	s28 =	sshll.u32 s1, $0x1;
	s11 =	smul.u32 $0x32000, s1  }
0x7: {  	[smem:$0x7FF] =	sst s2;
	s7 =	sor.u32 s6, s28;
	s30 =	smul.u32 $0x19000, s6  }
0x8: {  	s3 =	sadd.s32 $0xF42E00, s5;
	s10 =	sadd.s32 $0xA00, s5;
	s8 =	smul.u32 $0x320, s7  }
0x9: {  	_ =	strace $0x80000047;
	s9 =	ssub.s32 $0x2, s6;
	s7 =	smul.u32 $0x19000, s7  }
0xa: {  	s29 =	sshrl.u32 s9, $0x1;
	s31 =	sadd.s32 s11, s10;
	s11 =	simm.s32 $0x1900  }
0xb: {  	s5 =	ssub.s32 s9, s29;
	s9 =	simm.s32 $0x2;
	s4 =	sadd.s32 s4, s8  }
0xc: {  	s5 =	smax.u32 s5, $0x1;
	s7 =	sadd.s32 s10, s7;
	s8 =	sadd.s32 s30, s31  }
0xd: {  	s10 =	simm.s32 $0x140;
	s6 =	sadd.s32 $0x16800, s7;
	s7 =	sadd.s32 $0x17C00, s7  }
.LBB2_1:
0xe: {  	[tilespmem:s2], [sflag:$0x2] =	stream.linear.gather [hbm4b:s4+s2], $0x1900, $0x38;
	[tilespmem:$0x15900] =	vst v63  }
0xf: {  	_ =	swait.ge [sflag:s9], $0x1900  }
0x10: {  	[sflag:s9] =	ssyncset.done $0x0  }
0x11: {  	[sflag:s9] =	ssyncadd.s32 $0xFFFFE700  }
0x12: {  	[tilespmem:s11], [sflag:$0x1] =	stream.indirect.gather [hbm4b:s3+s10], $0x80, s2, s10, $0xb8;
	[tilespmem:$0x15900] =	vst v63  }
0x13: {  	_ = 	snop  }
0x14: {  	[tilespmem:s12], [sflag:$0x1] =	stream.indirect.gather [hbm4b:s3+s10], $0x80, s10, s10, $0xb8;
	[tilespmem:$0x15900] =	vst v63  }
0x15: {  	_ =	swait.ge [sflag:s13], $0xA000  }
0x16: {  	[sflag:s13] =	ssyncset.done $0x0  }
0x17: {  	s15 =	sadd.s32 $0x0, s8;
	[sflag:s13] =	ssyncadd.s32 $0xFFFF6000  }
0x18: {  	[hbm4b:s15+s2] =	stream.linear.scatter [tilespmem:s11], [sflag:$0x2], $0xA000, $0x38;
	[tilespmem:$0x15900] =	vst v63  }
0x19: {  	_ =	swait.ge [sflag:s9], $0xA000  }
0x1a: {  	[sflag:s9] =	ssyncset.done $0x0  }
0x1b: {  	s16 =	simm.s32 $0x280;
	[sflag:s9] =	ssyncadd.s32 $0xFFFF6000  }
0x1c: {  	[tilespmem:s11], [sflag:$0x1] =	stream.indirect.gather [hbm4b:s3+s10], $0x80, s16, s10, $0xb8;
	[tilespmem:$0x15900] =	vst v63  }
0x1d: {  	_ =	swait.ge [sflag:s13], $0xA000  }
0x1e: {  	[sflag:s13] =	ssyncset.done $0x0  }
0x1f: {  	s15 =	sadd.s32 $0x1400, s15;
	[sflag:s13] =	ssyncadd.s32 $0xFFFF6000  }
0x20: {  	[hbm4b:s15+s2] =	stream.linear.scatter [tilespmem:s12], [sflag:$0x2], $0xA000, $0x38;
	[tilespmem:$0x15900] =	vst v63  }
0x21: {  	_ =	swait.ge [sflag:s9], $0xA000  }
0x22: {  	s17 =	simm.s32 $0x640;
	[sflag:s9] =	ssyncset.done $0x0  }
0x23: {  	s16 =	simm.s32 $0x2800;
	s15 =	simm.s32 $0x3C0;
	[sflag:s9] =	ssyncadd.s32 $0xFFFF6000  }
.LBB2_2:
0x24: {  	[tilespmem:s12], [sflag:$0x1] =	stream.indirect.gather [hbm4b:s3+s10], $0x80, s15, s10, $0xb8;
	[tilespmem:$0x15900] =	vst v63  }
0x25: {  	s18 =	smov.u32 s16;
	s15 =	smov.u32 s17  }
0x26: {  	p0 =	sne.s32 s16, $0x14000;
	s16 =	sadd.s32 $0x2800, s16;
	_ =	swait.ge [sflag:s13], $0xA000  }
0x27: {  	[sflag:s13] =	ssyncset.done $0x0  }
0x28: {  	s18 =	sadd.s32 s18, s8;
	[sflag:s13] =	ssyncadd.s32 $0xFFFF6000  }
0x29: {  	[hbm4b:s18+s2] =	stream.linear.scatter [tilespmem:s11], [sflag:$0x2], $0xA000, $0x38;
	[tilespmem:$0x15900] =	vst v63  }
0x2a: {  	_ =	swait.ge [sflag:s9], $0xA000  }
0x2b: {  	[sflag:s9] =	ssyncset.done $0x0  }
0x2c: {  	s19 =	sadd.s32 $0xFFFFFEC0, s17;
	[sflag:s9] =	ssyncadd.s32 $0xFFFF6000  }
0x2d: {  	[tilespmem:s11], [sflag:$0x1] =	stream.indirect.gather [hbm4b:s3+s10], $0x80, s19, s10, $0xb8;
	[tilespmem:$0x15900] =	vst v63  }
0x2e: {  	_ =	swait.ge [sflag:s13], $0xA000  }
0x2f: {  	[sflag:s13] =	ssyncset.done $0x0  }
.Ltmp0:
0x30: {  	s18 =	sadd.s32 $0x1400, s18;
	[sflag:s13] =	ssyncadd.s32 $0xFFFF6000;
	(pc) =	sbr.rel @p0 .LBB2_2-.Ltmp0, $4  }
0x31: {  	[hbm4b:s18+s2] =	stream.linear.scatter [tilespmem:s12], [sflag:$0x2], $0xA000, $0x38;
	[tilespmem:$0x15900] =	vst v63  }
0x32: {  	_ =	swait.ge [sflag:s9], $0xA000  }
0x33: {  	[sflag:s9] =	ssyncset.done $0x0  }
0x34: {  	s17 =	sadd.s32 $0x280, s17;
	[sflag:s9] =	ssyncadd.s32 $0xFFFF6000  }
0x35: {  	[tilespmem:s12], [sflag:$0x1] =	stream.indirect.gather [hbm4b:s3+s10], $0x80, s15, s10, $0xb8;
	[tilespmem:$0x15900] =	vst v63  }
0x36: {  	_ =	swait.ge [sflag:s13], $0xA000  }
0x37: {  	[sflag:s13] =	ssyncset.done $0x0  }
0x38: {  	[sflag:s13] =	ssyncadd.s32 $0xFFFF6000  }
0x39: {  	[hbm4b:s6+s2] =	stream.linear.scatter [tilespmem:s11], [sflag:$0x2], $0xA000, $0x38;
	[tilespmem:$0x15900] =	vst v63  }
0x3a: {  	_ =	swait.ge [sflag:s9], $0xA000  }
0x3b: {  	[sflag:s9] =	ssyncset.done $0x0  }
0x3c: {  	[sflag:s9] =	ssyncadd.s32 $0xFFFF6000  }
0x3d: {  	s14 =	sadd.s32 $0x1, s14;
	_ =	swait.ge [sflag:s13], $0xA000  }
0x3e: {  	p0 =	sne.s32 s14, s5;
	[sflag:s13] =	ssyncset.done $0x0  }
.Ltmp1:
0x3f: {  	[sflag:s13] =	ssyncadd.s32 $0xFFFF6000;
	(pc) =	sbr.rel @p0 .LBB2_1-.Ltmp1, $4  }
0x40: {  	[hbm4b:s7+s2] =	stream.linear.scatter [tilespmem:s12], [sflag:$0x2], $0xA000, $0x38;
	[tilespmem:$0x15900] =	vst v63  }
0x41: {  	_ =	swait.ge [sflag:s9], $0xA000  }
0x42: {  	[sflag:s9] =	ssyncset.done $0x0  }
0x43: {  	[sflag:s9] =	ssyncadd.s32 $0xFFFF6000  }
0x44: {  	_ =	sfence.sel $0x180000  }
0x45: {  	[bflag:$0x0] =	sbarrier.arrive $0xFFFF  }
0x46: {  	p0 =	sne.s32 s1, $0x0;
	_ =	strace $0x90000047  }
0x47: {  	s0 =	sadd.s32 @!p0 $0x100000, s0;
	[bflag:$0x2] =	sbarrier.arrive $0xFFFF  }
0x48: {  	[sflag:s0] =	ssyncadd.tile.s32 @!p0 $0x1;
	_ =	shalt  }
.Lfunc_end2:
_tile_overlayer_lowered:
.L_overlay_start_2:
0x49: {  	(tag) =	ssettag $0x2  }
0x4a: {  	s0 =	rddreg [dreg:$0x0];
	s2 =	stileid.u32  }
0x4b: {  	s1 =	rddreg [dreg:$0x1];
	p0 =	sne.s32 s2, $0x0  }
0x4c: {  	s3 =	rddreg [dreg:$0x2];
	[bflag:$0x3] =	sbarrier.arrive $0xFFFF;
	s2 =	simm.s32 @!p0 $0x1C02  }
0x4d: {  	[timem:s3], [sflag:s2] =	dma.local @!p0 [hbm:s0], s1  }
0x4e: {  	s0 =	simm.s32 @!p0 $0x2  }
0x4f: {  	_ =	swait.ge @!p0 [sflag:s0], s1  }
0x50: {  	s1 =	ssub.s32 @!p0 $0x0, s1;
	[sflag:s0] =	ssyncset.done @!p0 $0x0  }
0x51: {  	[sflag:s0] =	ssyncadd.s32 @!p0 s1  }
0x52: {  	[bflag:$0x3] =	sbarrier.arrive $0xFFFF  }
0x53: {  	_ =	shalt  }

// kernel: sparse-core-data-format-call.cloned.1.call-start
scs
called_computation_lowered:
.L_overlay_start_0:
0x0: {  	s2 =	sld [smem:$0x3FD9]  }
0x1: {  	s3 =	sld [smem:$0x3FFE];
	_ =	sdelay $0x1  }
0x2: {  	s1 =	srdreg.scid  }
0x3: {  	s0 =	sand.u32 $0x1, s1  }
0x4: {  	s18 =	sshll.u32 s0, $0xA;
	s2 =	sadd.s32 s3, s2  }
0x5: {  	s2 =	sadd.s32 s2, s18  }
0x6: {  	[smem:$0x3FC6] =	sst s2  }
0x7: {  	_ = 	snop  }
0x8: {  	s2 =	sld [smem:$0x3FD0];
	(tm) =	ssettm $0x1  }
0x9: {  	s19 =	sld [smem:$0x3FFB];
	_ =	sdelay $0x3  }
0xa: {  	_ =	strace s19  }
0xb: {  	s3 =	sld [smem:$0x3FFC];
	_ =	sdelay $0x3  }
0xc: {  	_ =	strace s3  }
0xd: {  	s3 =	sld [smem:$0x3FFD];
	_ =	sdelay $0x3  }
0xe: {  	_ =	strace s3  }
0xf: {  	_ =	strace $0x8FFFFFFF  }
0x10: {  	s20 =	sld [smem:$0x3FDB];
	_ =	sdelay $0x1  }
0x11: {  	s4 =	simm.s32 $_scs_section_size  }
0x12: {  	s5 =	simm.s32 $_size__tile_overlayer_lowered;
	s6 =	simm.s32 $_tile_overlayer_lowered  }
0x13: {  	s23 =	simm.s32 $0x1BFF;
	s22 =	sshll.u32 s6, $0x1;
	s3 =	sadd.s32 s4, s20  }
0x14: {  	s7 =	simm.s32 $0x0;
	s21 =	sshll.u32 s5, $0x1;
	s5 =	sadd.s32 s22, s3  }
0x15: {  	[timem:s7], [sflag:s23] =	dma.local [hbm:s5], s21  }
0x16: {  	_ =	swait.ge [sflag:s23], s21  }
0x17: {  	s4 =	ssub.s32 $0x0, s21;
	[sflag:s23] =	ssyncset.done $0x0  }
0x18: {  	[sflag:s23] =	ssyncadd.s32 s4;
	_ =	sdelay $0x1  }
0x19: {  	s24 =	simm.s32 $0x1B8B  }
0x1a: {  	_ =	swait.ge [sflag:s24], $0x1  }
0x1b: {  	[sflag:s24] =	ssyncset.done $0x0  }
0x1c: {  	s26 =	simm.s32 $0x1B8E;
	s25 =	sld [smem:$0x3FFE];
	[sflag:s24] =	ssyncadd.s32 $0xFFFFFFFF  }
0x1d: {  	s27 =	simm.s32 $execute0_lowered;
	[smem:$0x3FD2] =	sst s26  }
0x1e: {  	s5 =	sshll.u32 s27, $0x1;
	_ =	strace $0x80000049;
	[dreg:$0x1] =	wrdreg $0xFFFFFFFF  }
0x1f: {  	s28 =	simm.s32 $_size_execute0_lowered;
	s3 =	sadd.s32 s3, s5;
	[dreg:$0x0] =	wrdreg $0x0  }
0x20: {  	s5 =	sshll.u32 s28, $0x1;
	[dreg:$0x2] =	wrdreg s3  }
0x21: {  	[dreg:$0x3] =	wrdreg s5  }
0x22: {  	[dreg:$0x4] =	wrdreg $0xC0  }
0x23: {  	_ =	task [dreg:s7], $0x5FFFF  }
0x24: {  	[dreg:$0x1] =	wrdreg $0xFFFFFFFF  }
0x25: {  	[dreg:$0x0] =	wrdreg $0x60  }
0x26: {  	[dreg:$0x2] =	wrdreg s25  }
0x27: {  	[dreg:$0x3] =	wrdreg s2  }
0x28: {  	[dreg:$0x4] =	wrdreg $0x9  }
0x29: {  	_ =	task.clear_ibuf [dreg:s7], $0x5FFFF;
	_ =	strace $0x90000049  }
0x2a: {  	s29 =	simm.s32 $0x9;
	_ =	strace $0x8000004B  }
0x2b: {  	_ =	swait.ge [sflag:s29], $0x1  }
0x2c: {  	[sflag:s29] =	ssyncadd.s32 $0xFFFFFFFF  }
0x2d: {  	_ =	strace $0x9000004B  }
0x2e: {  	_ =	sfence  }
0x2f: {  	s30 =	sld [smem:$0x0];
	_ =	sdelay $0x2  }
0x30: {  	s31 =	sshll.u32 s1, $0xD;
	s1 =	sshrl.u32 s1, $0x2  }
0x31: {  	s3 =	sand.u32 $0x4000, s31;
	s1 =	sadd.s32 s1, s30  }
0x32: {  	s0 =	sor.u32 s3, s0;
	s1 =	sshll.u32 s1, $0x11  }
0x33: {  	s0 =	sor.u32 s1, s0  }
0x34: {  	s0 =	sadd.s32 $0x8F2B, s0  }
0x35: {  	[sflag:s0] =	ssyncadd.remote.s32 $0x1  }
0x36: {  	_ =	sfence.sel $0xFFFF  }
0x37: {  	[dreg:$0x0] =	wrdreg $0xFFFFFFFF;
	(pc) =	sbr.abs _section_cstart, $3  }
0x38: {  	[dreg:$0x1] =	wrdreg $0xFFFFFFFF  }
0x39: {  	_ =	task.clear_ibuf [dreg:s7], $0x2FFFF;
	_ =	strace $0x9FFFFFFF  }
0x3a: {  	(tm) =	ssettm $0x7FFFFFFF  }
0x3b: {  	_ =	shalt  }
tec
execute0_lowered:
.L_overlay_start_1:
0x0: {  	(tag) =	ssettag $0x1  }
0x1: {  	s0 =	srdreg.scid  }
0x2: {  	s1 =	sshll.u32 s0, $0x4  }
0x3: {  	s5 =	rddreg [dreg:$0x0];
	s0 =	stileid.u32;
	s1 =	sand.u32 $0x10, s1  }
0x4: {  	s3 =	rddreg [dreg:$0x1];
	s31 =	simm.s32 $0x2;
	s4 =	sor.u32 s0, s1  }
0x5: {  	s13 =	simm.s32 $0x0;
	s9 =	simm.s32 $0x400;
	s2 =	sshll.u32 s4, $0x7  }
0x6: {  	s10 =	simm.s32 $0x8000;
	s14 =	simm.s32 $0x0;
	s6 =	ssub.s32 $0x1000, s2  }
0x7: {  	s1 =	rddreg [dreg:$0x2];
	_ =	strace $0x8000004A;
	s7 =	sand.u32 $0xF80, s6  }
0x8: {  	s4 =	sshll.u32 s4, $0xB;
	p0 =	sne.s32 s7, $0x0;
	s7 =	simm.s32 $0x1  }
.Ltmp0:
0x9: {  	s6 =	sshrl.u32 s6, $0xC;
	s7 =	simm.s32 @!p0 $0x0;
	(pc) =	sbr.rel .LBB1_1-.Ltmp0, $4  }
0xa: {  	s8 =	sadd.s32 s4, s5;
	s4 =	simm.s32 $0x1;
	s30 =	sadd.s32 s7, s6  }
0xb: {  	s11 =	simm.s32 $0x0;
	[sflag:s4] =	ssyncpa.u1 $0x0;
	s5 =	smul.u32 $0x19, s30  }
0xc: {  	s12 =	simm.s32 $0x0;
	[sflag:s31] =	ssyncpa.u1 $0x0;
	p0 =	por $0x0, $0x0  }
0xd: {  	s6 =	sadd.s32 $0xA00, s8;
	s7 =	sadd.s32 $0x10A00, s8;
	s8 =	sadd.s32 $0x1, s5  }
.LBB1_7:
0xe: {  	s15 =	sadd.s32 $0x2, s11  }
0xf: {  	p2 =	sgt.s32 s15, $0x31  }
0x10: {  	s15 =	simm.s32 @p2 $0x0;
	p2 =	sne.s32 s12, s8  }
.Ltmp1:
0x11: {  	p1 =	slt.u32 s12, $0x2;
	(pc) =	sbr.rel @!p2 .LBB1_8-.Ltmp1, $4  }
0x12: {  	s13 =	simm.s32 @!p1 $0x2  }
0x13: {  	s16 =	sadd.s32 $0x1, s12;
	s14 =	smov.u32 s11;
	_ =	swait.ge @!p1 [sflag:s13], $0x4000  }
0x14: {  	p0 =	por !p0, !p0;
	s12 =	smov.u32 s16;
	[sflag:s13] =	ssyncset.done @!p1 $0x0  }
0x15: {  	s11 =	smov.u32 s15;
	[sflag:s13] =	ssyncadd.s32 @!p1 $0xFFFFC000;
	s13 =	smov.u32 s2  }
.LBB1_1:
0x16: {  	p1 =	sge.u32 s12, s5  }
0x17: {  	s15 =	sxor.u32 @!p1 $0xFFFFFFFF, s12  }
0x18: {  	s16 =	sshll.u32 @!p1 s11, $0x10;
	s18 =	simm.s32 @!p1 $0x40;
	s15 =	sshll.u32 @!p1 s15, $0xE  }
0x19: {  	s19 =	simm.s32 @!p1 $0x80;
	s17 =	sadd.s32 @!p1 s16, s6;
	s15 =	sand.u32 @!p1 $0x4000, s15  }
0x1a: {  	[tilespmem:s15], [sflag:$0x1] =	stream.strided.gather @!p1 [hbm4b:s17+s18], $0x2000, s19, s18, $0x38;
	[tilespmem:$0x10100] =	vst v63  }
0x1b: {  	s31 =	sadd.s32 $0xFFFFFFFF, s12;
	s16 =	sadd.s32 @!p1 s16, s7;
	s15 =	sor.u32 @!p1 $0x2000, s15  }
0x1c: {  	[tilespmem:s15], [sflag:$0x1] =	stream.strided.gather @!p1 [hbm4b:s16+s18], $0x2000, s19, s18, $0x38;
	[tilespmem:$0x10100] =	vst v63  }
0x1d: {  	p1 =	sge.u32 s31, s5  }
.Ltmp2:
0x1e: {  	_ = 	snop;
	(pc) =	sbr.rel @p1 .LBB1_7-.Ltmp2, $1  }
0x1f: {  	_ =	sdelay $0x3  }
0x20: {  	s15 =	simm.s32 $0x1;
	s17 =	sand.u32 $0x1, s12  }
0x21: {  	_ =	swait.ge [sflag:s4], $0x4000;
	s15 =	simm.s32 @!p0 $0x0;
	s17 =	smul.u32 $0x10200, s17  }
0x22: {  	p2 =	por $0x1, $0x1;
	[sflag:s4] =	ssyncset.done $0x0;
	s16 =	smul.u32 $0x10200, s15  }
0x23: {  	s18 =	sshll.u32 s15, $0x10;
	[sflag:s4] =	ssyncadd.s32 $0xFFFFC000;
	s30 =	sshrl.u32 s17, $0x2  }
0x24: {  	s31 =	sshrl.u32 s18, $0x2;
	s18 =	simm.s32 $0x0;
	s16 =	sshrl.u32 s16, $0x2  }
0x25: {  	s15 =	sor.u32 $0x8000, s30;
	s17 =	sadd.s32 $0x20, s31;
	s16 =	sor.u32 $0x8000, s16  }
.LBB1_3:
0x26: {  	s19 =	sshll.u32 s18, $0xD  }
0x27: {  	s19 =	sand.u32 $0x3FFFE000, s19  }
0x28: {  	s21 =	sadd.s32 s19, s17  }
0x29: {  	s31 =	smul.u32 $0x8100, s18;
	v3 =	vld [tilespmem:s21+$0x10]  }
0x2a: {  	v1 =	vld [tilespmem:s21+$0xFFFFFFF0]  }
0x2b: {  	s18 =	sshra.s32 s31, $0x2;
	v0 =	vld [tilespmem:s21+$0x0]  }
0x2c: {  	s18 =	sadd.s32 s18, s16;
	v2 =	vld [tilespmem:s21+$0xFFFFFFE0]  }
0x2d: {  	s19 =	sadd.s32 $0x0, s18  }
0x2e: {  	p1 =	por p2, p2;
	s20 =	simm.s32 $0x4;
	s21 =	sadd.s32 $0x40, s21;
	[tilespmem:s19+$0x1830 ss:$0x81] =	vst.msk $0xffff, v3  }
.LBB1_4:
0x2f: {  	v3 =	vld [tilespmem:s21+$0x10];
	p2 =	sne.s32 s20, $0x1FC;
	[tilespmem:s19+$0x810 ss:$0x81] =	vst.msk $0xffff, v1;
	s22 =	smov.u32 s20;
	s20 =	sadd.s32 $0x4, s20  }
.Ltmp3:
0x30: {  	v1 =	vld [tilespmem:s21+$0xFFFFFFF0];
	[tilespmem:s19+$0x1020 ss:$0x81] =	vst.msk $0xffff, v0;
	(pc) =	sbr.rel @p2 .LBB1_4-.Ltmp3, $4  }
0x31: {  	v0 =	vld [tilespmem:s21+$0x0];
	[tilespmem:s19+$0x0 ss:$0x81] =	vst.msk $0xffff, v2  }
0x32: {  	s19 =	sshra.s32 s22, $0x2;
	v2 =	vld [tilespmem:s21+$0xFFFFFFE0]  }
0x33: {  	s19 =	sadd.s32 s19, s18  }
0x34: {  	s21 =	sadd.s32 $0x40, s21;
	[tilespmem:s19+$0x1830 ss:$0x81] =	vst.msk $0xffff, v3  }
.Ltmp4:
0x35: {  	(pc) =	sbr.rel @p1 .LBB1_3-.Ltmp4, $4  }
0x36: {  	_ = 	snop  }
0x37: {  	[tilespmem:s19+$0x810 ss:$0x81] =	vst.msk $0xffff, v1  }
0x38: {  	[tilespmem:s19+$0x1020 ss:$0x81] =	vst.msk $0xffff, v0  }
0x39: {  	s18 =	simm.s32 $0x1;
	p2 =	por $0x0, $0x0;
	[tilespmem:s19+$0x0 ss:$0x81] =	vst.msk $0xffff, v2  }
.Ltmp5:
0x3a: {  	(pc) =	sbr.rel .LBB1_7-.Ltmp5, $4  }
0x3b: {  	s14 =	sshll.u32 s14, $0xF  }
0x3c: {  	s14 =	sadd.s32 s3, s14  }
0x3d: {  	s13 =	sadd.s32 s13, s14  }
0x3e: {  	[hbm4b:s13+s9] =	stream.strided.scatter [tilespmem:s15], [sflag:$0x2], $0x4000, s10, s9, $0x20;
	[tilespmem:$0x10100] =	vst v63  }
.LBB1_8:
0x3f: {  	_ =	sfence.sel $0x180000  }
0x40: {  	s2 =	simm.s32 $0x1;
	[bflag:$0x0] =	sbarrier.arrive $0xFFFF  }
0x41: {  	s31 =	simm.s32 $0x2;
	[sflag:s2] =	ssyncpa.u1 $0x1  }
0x42: {  	[sflag:s31] =	ssyncpa.u1 $0x1  }
0x43: {  	p0 =	sne.s32 s0, $0x0;
	_ =	strace $0x9000004A  }
0x44: {  	s0 =	sadd.s32 @!p0 $0x100000, s1;
	[bflag:$0x2] =	sbarrier.arrive $0xFFFF  }
0x45: {  	[sflag:s0] =	ssyncadd.tile.s32 @!p0 $0x1;
	_ =	shalt  }
.Lfunc_end1:
_tile_overlayer_lowered:
.L_overlay_start_2:
0x46: {  	(tag) =	ssettag $0x2  }
0x47: {  	s0 =	rddreg [dreg:$0x0];
	s2 =	stileid.u32  }
0x48: {  	s1 =	rddreg [dreg:$0x1];
	p0 =	sne.s32 s2, $0x0  }
0x49: {  	s3 =	rddreg [dreg:$0x2];
	[bflag:$0x3] =	sbarrier.arrive $0xFFFF;
	s2 =	simm.s32 @!p0 $0x1C01  }
0x4a: {  	[timem:s3], [sflag:s2] =	dma.local @!p0 [hbm:s0], s1  }
0x4b: {  	s0 =	simm.s32 @!p0 $0x1  }
0x4c: {  	_ =	swait.ge @!p0 [sflag:s0], s1  }
0x4d: {  	s1 =	ssub.s32 @!p0 $0x0, s1;
	[sflag:s0] =	ssyncset.done @!p0 $0x0  }
0x4e: {  	[sflag:s0] =	ssyncadd.s32 @!p0 s1  }
0x4f: {  	[bflag:$0x3] =	sbarrier.arrive $0xFFFF  }
0x50: {  	_ =	shalt  }

</sc_bundles>
